<compile_context>
chip_gen: v7x
topology: tpu7x:2x2x1
jax: 0.10.2.dev20260603
libtpu: 0.0.44.dev20260713+nightly
codegen_flags: <defaults>
</compile_context>

<pallas_src>
import functools

import jax
import jax.numpy as jnp
from jax import lax
from jax.experimental import pallas as pl
from jax.experimental.pallas import tpu as pltpu
from jax.experimental.pallas import tpu_sc as plsc

VOCAB = 100000
DIM = 128
BATCH = 4096
HIST = 50
N = BATCH * HIST
NC, NS = 2, 16
NW = NC * NS
CH = 128
NCH = HIST
NBUF = 5


@functools.partial(
    pl.kernel,
    mesh=plsc.VectorSubcoreMesh(core_axis_name="c", subcore_axis_name="s"),
    out_type=jax.ShapeDtypeStruct((N, DIM), jnp.float32),
    scratch_types=[
        pltpu.VMEM((NCH, CH), jnp.int32),
    ]
    + [pltpu.VMEM((CH, DIM), jnp.float32) for _ in range(NBUF)]
    + [pltpu.SemaphoreType.DMA for _ in range(2 * NBUF)],
)
def _emb_gather(xt_hbm, table_hbm, out_hbm, idx_v, *bufs_and_sems):
    rows = bufs_and_sems[:NBUF]
    gsem = bufs_and_sems[NBUF:2 * NBUF]
    wsem = bufs_and_sems[2 * NBUF:]
    wid = lax.axis_index("s") * NC + lax.axis_index("c")
    col = wid * CH
    pltpu.sync_copy(xt_hbm.at[:, pl.ds(col, CH)], idx_v)

    for b in range(NBUF):
        pltpu.async_copy(table_hbm.at[idx_v.at[b]], rows[b], gsem[b])

    def outer(t, carry):
        for b in range(NBUF):
            h = t * NBUF + b
            pltpu.make_async_copy(
                table_hbm.at[pl.ds(0, CH)], rows[b], gsem[b]).wait()
            pltpu.async_copy(
                rows[b], out_hbm.at[pl.ds(h * BATCH + col, CH)], wsem[b])
            pltpu.make_async_copy(
                rows[b], out_hbm.at[pl.ds(0, CH)], wsem[b]).wait()
            pltpu.async_copy(
                table_hbm.at[idx_v.at[h + NBUF]], rows[b], gsem[b])
        return carry

    lax.fori_loop(0, NCH // NBUF - 1, outer, 0)

    for b in range(NBUF):
        h = NCH - NBUF + b
        pltpu.make_async_copy(
            table_hbm.at[pl.ds(0, CH)], rows[b], gsem[b]).wait()
        pltpu.async_copy(
            rows[b], out_hbm.at[pl.ds(h * BATCH + col, CH)], wsem[b])
    for b in range(NBUF):
        pltpu.make_async_copy(
            rows[b], out_hbm.at[pl.ds(0, CH)], wsem[b]).wait()


def kernel(x, table):
    xt = x.T.astype(jnp.int32)
    out = _emb_gather(xt, table)
    return out.reshape(HIST, BATCH, DIM).transpose(1, 0, 2)

# --- scband reference (transcript-rebuilt; emitter-appended) ---
"""Pipeline reference for scband-word-embeddings-53326313947927 (READ-ONLY COPY).

The authoritative reference and input builder live on the scoring server;
editing this copy changes nothing except your own understanding.
"""

import jax, jax.numpy as jnp
import numpy as np

VOCAB = 100000
DIM = 128
BATCH = 4096
HIST = 50


def setup_inputs(seed: int = 0) -> dict:
    key = jax.random.key(seed)
    k1, k2 = jax.random.split(key)
    x = jax.random.randint(k1, (BATCH, HIST), 0, VOCAB, dtype=jnp.int64 if jax.config.jax_enable_x64 else jnp.int32)
    table = jax.random.normal(k2, (VOCAB, DIM), dtype=jnp.float32)
    return {"x": x, "table": table}


def reference(x, table):
    # nn.Embedding forward: row-gather from the embedding table
    return jnp.take(table, x, axis=0)

if __name__ == "__main__":
    import jax
    _d = setup_inputs()
    print(jax.jit(kernel)(*tuple(_d.values())))

</pallas_src>

<mosaic_0001>
#map = affine_map<(d0, d1) -> (0, 0)>
module attributes {stable_mosaic.version = 14 : i64} {
  func.func @_emb_gather(%arg0: i32, %arg1: i32, %arg2: memref<50x4096xi32, #tpu.memory_space<hbm>>, %arg3: memref<100000x128xf32, #tpu.memory_space<hbm>>, %arg4: memref<204800x128xf32, #tpu.memory_space<hbm>>, %arg5: memref<50x128xi32, #tpu.memory_space<vmem>>, %arg6: memref<128x128xf32, #tpu.memory_space<vmem>>, %arg7: memref<128x128xf32, #tpu.memory_space<vmem>>, %arg8: memref<128x128xf32, #tpu.memory_space<vmem>>, %arg9: memref<128x128xf32, #tpu.memory_space<vmem>>, %arg10: memref<128x128xf32, #tpu.memory_space<vmem>>, %arg11: memref<!tpu.dma_semaphore, #tpu.memory_space<semaphore_mem>>, %arg12: memref<!tpu.dma_semaphore, #tpu.memory_space<semaphore_mem>>, %arg13: memref<!tpu.dma_semaphore, #tpu.memory_space<semaphore_mem>>, %arg14: memref<!tpu.dma_semaphore, #tpu.memory_space<semaphore_mem>>, %arg15: memref<!tpu.dma_semaphore, #tpu.memory_space<semaphore_mem>>, %arg16: memref<!tpu.dma_semaphore, #tpu.memory_space<semaphore_mem>>, %arg17: memref<!tpu.dma_semaphore, #tpu.memory_space<semaphore_mem>>, %arg18: memref<!tpu.dma_semaphore, #tpu.memory_space<semaphore_mem>>, %arg19: memref<!tpu.dma_semaphore, #tpu.memory_space<semaphore_mem>>, %arg20: memref<!tpu.dma_semaphore, #tpu.memory_space<semaphore_mem>>) attributes {dimension_semantics = [#tpu.dimension_semantics<core_parallel>, #tpu.dimension_semantics<subcore_parallel>], iteration_bounds = array<i64: 2, 16>, scalar_prefetch = 0 : i64, scratch_operands = 16 : i64, tpu.core_type = #tpu.core_type<sc_vector_subcore>, window_params = [{transform_indices = #map}, {transform_indices = #map}, {transform_indices = #map}]} {
    %mul3A = arith.constant 2 : i32
    %mul3A_0 = arith.muli %arg1, %mul3A : i32
    %add3A = arith.addi %mul3A_0, %arg0 : i32
    %mul3A_1 = arith.constant 128 : i32
    %mul3A_2 = arith.muli %add3A, %mul3A_1 : i32
    "tpu.region"() ({
      %run_scoped3A = tpu.sem_alloc : memref<!tpu.dma_semaphore, #tpu.memory_space<semaphore_mem>>
      %dma_start3A_131 = arith.constant 0 : i32
      %dma_start3A_132 = tpu.memref_slice %arg2[%dma_start3A_131, %mul3A_2] : memref<50x4096xi32, #tpu.memory_space<hbm>> -> memref<50x128xi32, #tpu.memory_space<hbm>>
      %dma_start3A_133 = arith.constant 0 : i32
      %dma_start3A_134 = tpu.memref_slice %arg2[%dma_start3A_133, %mul3A_2] : memref<50x4096xi32, #tpu.memory_space<hbm>> -> memref<50x128xi32, #tpu.memory_space<hbm>>
      tpu.enqueue_dma source(%dma_start3A_134 : memref<50x128xi32, #tpu.memory_space<hbm>>) target(%arg5 : memref<50x128xi32, #tpu.memory_space<vmem>>) target_semaphore(%run_scoped3A : memref<!tpu.dma_semaphore, #tpu.memory_space<semaphore_mem>>)
      %dma_wait3A_135 = arith.constant 0 : i32
      %dma_wait3A_136 = tpu.memref_slice %arg2[%dma_wait3A_135, %mul3A_2] : memref<50x4096xi32, #tpu.memory_space<hbm>> -> memref<50x128xi32, #tpu.memory_space<hbm>>
      %dma_wait3A_137 = arith.constant 0 : i32
      %dma_wait3A_138 = tpu.memref_slice %arg2[%dma_wait3A_137, %mul3A_2] : memref<50x4096xi32, #tpu.memory_space<hbm>> -> memref<50x128xi32, #tpu.memory_space<hbm>>
      tpu.wait_dma2 semaphore(%run_scoped3A : memref<!tpu.dma_semaphore, #tpu.memory_space<semaphore_mem>>) src(%dma_wait3A_138 : memref<50x128xi32, #tpu.memory_space<hbm>>) dst(%arg5 : memref<50x128xi32, #tpu.memory_space<vmem>>)
      tpu.yield
    }) : () -> ()
    %dma_start3A = arith.constant 0 : i32
    %dma_start3A_3 = arith.constant 0 : i32
    %dma_start3A_4 = tpu.memref_slice %arg5[%dma_start3A, %dma_start3A_3] : memref<50x128xi32, #tpu.memory_space<vmem>> -> memref<1x128xi32, #tpu.memory_space<vmem>>
    %dma_start3A_5 = tpu.memref_squeeze %dma_start3A_4 : memref<1x128xi32, #tpu.memory_space<vmem>> -> memref<128xi32, #tpu.memory_space<vmem>>
    %dma_start3A_6 = arith.constant 0 : i32
    %dma_start3A_7 = arith.constant 0 : i32
    %dma_start3A_8 = tpu.memref_slice %arg3[%dma_start3A_6, %dma_start3A_7] : memref<100000x128xf32, #tpu.memory_space<hbm>> -> memref<100000x128xf32, #tpu.memory_space<hbm>>
    tpu.enqueue_indirect_dma source(%dma_start3A_8 : memref<100000x128xf32, #tpu.memory_space<hbm>>) target(%arg6 : memref<128x128xf32, #tpu.memory_space<vmem>>) offsets(%dma_start3A_5 : memref<128xi32, #tpu.memory_space<vmem>>) semaphore(%arg11 : memref<!tpu.dma_semaphore, #tpu.memory_space<semaphore_mem>>)
    %dma_start3A_9 = arith.constant 1 : i32
    %dma_start3A_10 = arith.constant 0 : i32
    %dma_start3A_11 = tpu.memref_slice %arg5[%dma_start3A_9, %dma_start3A_10] : memref<50x128xi32, #tpu.memory_space<vmem>> -> memref<1x128xi32, #tpu.memory_space<vmem>>
    %dma_start3A_12 = tpu.memref_squeeze %dma_start3A_11 : memref<1x128xi32, #tpu.memory_space<vmem>> -> memref<128xi32, #tpu.memory_space<vmem>>
    %dma_start3A_13 = arith.constant 0 : i32
    %dma_start3A_14 = arith.constant 0 : i32
    %dma_start3A_15 = tpu.memref_slice %arg3[%dma_start3A_13, %dma_start3A_14] : memref<100000x128xf32, #tpu.memory_space<hbm>> -> memref<100000x128xf32, #tpu.memory_space<hbm>>
    tpu.enqueue_indirect_dma source(%dma_start3A_15 : memref<100000x128xf32, #tpu.memory_space<hbm>>) target(%arg7 : memref<128x128xf32, #tpu.memory_space<vmem>>) offsets(%dma_start3A_12 : memref<128xi32, #tpu.memory_space<vmem>>) semaphore(%arg12 : memref<!tpu.dma_semaphore, #tpu.memory_space<semaphore_mem>>)
    %dma_start3A_16 = arith.constant 2 : i32
    %dma_start3A_17 = arith.constant 0 : i32
    %dma_start3A_18 = tpu.memref_slice %arg5[%dma_start3A_16, %dma_start3A_17] : memref<50x128xi32, #tpu.memory_space<vmem>> -> memref<1x128xi32, #tpu.memory_space<vmem>>
    %dma_start3A_19 = tpu.memref_squeeze %dma_start3A_18 : memref<1x128xi32, #tpu.memory_space<vmem>> -> memref<128xi32, #tpu.memory_space<vmem>>
    %dma_start3A_20 = arith.constant 0 : i32
    %dma_start3A_21 = arith.constant 0 : i32
    %dma_start3A_22 = tpu.memref_slice %arg3[%dma_start3A_20, %dma_start3A_21] : memref<100000x128xf32, #tpu.memory_space<hbm>> -> memref<100000x128xf32, #tpu.memory_space<hbm>>
    tpu.enqueue_indirect_dma source(%dma_start3A_22 : memref<100000x128xf32, #tpu.memory_space<hbm>>) target(%arg8 : memref<128x128xf32, #tpu.memory_space<vmem>>) offsets(%dma_start3A_19 : memref<128xi32, #tpu.memory_space<vmem>>) semaphore(%arg13 : memref<!tpu.dma_semaphore, #tpu.memory_space<semaphore_mem>>)
    %dma_start3A_23 = arith.constant 3 : i32
    %dma_start3A_24 = arith.constant 0 : i32
    %dma_start3A_25 = tpu.memref_slice %arg5[%dma_start3A_23, %dma_start3A_24] : memref<50x128xi32, #tpu.memory_space<vmem>> -> memref<1x128xi32, #tpu.memory_space<vmem>>
    %dma_start3A_26 = tpu.memref_squeeze %dma_start3A_25 : memref<1x128xi32, #tpu.memory_space<vmem>> -> memref<128xi32, #tpu.memory_space<vmem>>
    %dma_start3A_27 = arith.constant 0 : i32
    %dma_start3A_28 = arith.constant 0 : i32
    %dma_start3A_29 = tpu.memref_slice %arg3[%dma_start3A_27, %dma_start3A_28] : memref<100000x128xf32, #tpu.memory_space<hbm>> -> memref<100000x128xf32, #tpu.memory_space<hbm>>
    tpu.enqueue_indirect_dma source(%dma_start3A_29 : memref<100000x128xf32, #tpu.memory_space<hbm>>) target(%arg9 : memref<128x128xf32, #tpu.memory_space<vmem>>) offsets(%dma_start3A_26 : memref<128xi32, #tpu.memory_space<vmem>>) semaphore(%arg14 : memref<!tpu.dma_semaphore, #tpu.memory_space<semaphore_mem>>)
    %dma_start3A_30 = arith.constant 4 : i32
    %dma_start3A_31 = arith.constant 0 : i32
    %dma_start3A_32 = tpu.memref_slice %arg5[%dma_start3A_30, %dma_start3A_31] : memref<50x128xi32, #tpu.memory_space<vmem>> -> memref<1x128xi32, #tpu.memory_space<vmem>>
    %dma_start3A_33 = tpu.memref_squeeze %dma_start3A_32 : memref<1x128xi32, #tpu.memory_space<vmem>> -> memref<128xi32, #tpu.memory_space<vmem>>
    %dma_start3A_34 = arith.constant 0 : i32
    %dma_start3A_35 = arith.constant 0 : i32
    %dma_start3A_36 = tpu.memref_slice %arg3[%dma_start3A_34, %dma_start3A_35] : memref<100000x128xf32, #tpu.memory_space<hbm>> -> memref<100000x128xf32, #tpu.memory_space<hbm>>
    tpu.enqueue_indirect_dma source(%dma_start3A_36 : memref<100000x128xf32, #tpu.memory_space<hbm>>) target(%arg10 : memref<128x128xf32, #tpu.memory_space<vmem>>) offsets(%dma_start3A_33 : memref<128xi32, #tpu.memory_space<vmem>>) semaphore(%arg15 : memref<!tpu.dma_semaphore, #tpu.memory_space<semaphore_mem>>)
    %scan3A = arith.constant 0 : i32
    %scan3A_37 = arith.constant 0 : i32
    %scan3A_38 = arith.constant 9 : i32
    %scan3A_39 = arith.addi %scan3A_37, %scan3A_38 : i32
    %scan3A_40 = arith.constant 1 : i32
    scf.for %scan3A_131 = %scan3A_37 to %scan3A_39 step %scan3A_40  : i32 {
      %mul3A_132 = arith.constant 5 : i32
      %mul3A_133 = arith.muli %scan3A_131, %mul3A_132 : i32
      %add3A_134 = arith.constant 0 : i32
      %add3A_135 = arith.addi %mul3A_133, %add3A_134 : i32
      %dma_wait3A_136 = arith.constant 0 : i32
      %dma_wait3A_137 = arith.constant 0 : i32
      %dma_wait3A_138 = tpu.memref_slice %arg3[%dma_wait3A_136, %dma_wait3A_137] : memref<100000x128xf32, #tpu.memory_space<hbm>> -> memref<128x128xf32, #tpu.memory_space<hbm>>
      %dma_wait3A_139 = arith.constant 0 : i32
      %dma_wait3A_140 = arith.constant 0 : i32
      %dma_wait3A_141 = tpu.memref_slice %arg3[%dma_wait3A_139, %dma_wait3A_140] : memref<100000x128xf32, #tpu.memory_space<hbm>> -> memref<128x128xf32, #tpu.memory_space<hbm>>
      tpu.wait_dma2 semaphore(%arg11 : memref<!tpu.dma_semaphore, #tpu.memory_space<semaphore_mem>>) src(%dma_wait3A_141 : memref<128x128xf32, #tpu.memory_space<hbm>>) dst(%arg6 : memref<128x128xf32, #tpu.memory_space<vmem>>)
      %mul3A_142 = arith.constant 4096 : i32
      %mul3A_143 = arith.muli %add3A_135, %mul3A_142 : i32
      %add3A_144 = arith.addi %mul3A_143, %mul3A_2 : i32
      %dma_start3A_145 = arith.constant 0 : i32
      %dma_start3A_146 = tpu.memref_slice %arg4[%add3A_144, %dma_start3A_145] : memref<204800x128xf32, #tpu.memory_space<hbm>> -> memref<128x128xf32, #tpu.memory_space<hbm>>
      %dma_start3A_147 = arith.constant 0 : i32
      %dma_start3A_148 = tpu.memref_slice %arg4[%add3A_144, %dma_start3A_147] : memref<204800x128xf32, #tpu.memory_space<hbm>> -> memref<128x128xf32, #tpu.memory_space<hbm>>
      tpu.enqueue_dma source(%arg6 : memref<128x128xf32, #tpu.memory_space<vmem>>) target(%dma_start3A_148 : memref<128x128xf32, #tpu.memory_space<hbm>>) target_semaphore(%arg16 : memref<!tpu.dma_semaphore, #tpu.memory_space<semaphore_mem>>)
      %dma_wait3A_149 = arith.constant 0 : i32
      %dma_wait3A_150 = arith.constant 0 : i32
      %dma_wait3A_151 = tpu.memref_slice %arg4[%dma_wait3A_149, %dma_wait3A_150] : memref<204800x128xf32, #tpu.memory_space<hbm>> -> memref<128x128xf32, #tpu.memory_space<hbm>>
      %dma_wait3A_152 = arith.constant 0 : i32
      %dma_wait3A_153 = arith.constant 0 : i32
      %dma_wait3A_154 = tpu.memref_slice %arg4[%dma_wait3A_152, %dma_wait3A_153] : memref<204800x128xf32, #tpu.memory_space<hbm>> -> memref<128x128xf32, #tpu.memory_space<hbm>>
      tpu.wait_dma2 semaphore(%arg16 : memref<!tpu.dma_semaphore, #tpu.memory_space<semaphore_mem>>) src(%arg6 : memref<128x128xf32, #tpu.memory_space<vmem>>) dst(%dma_wait3A_154 : memref<128x128xf32, #tpu.memory_space<hbm>>)
      %add3A_155 = arith.constant 5 : i32
      %add3A_156 = arith.addi %add3A_135, %add3A_155 : i32
      %dma_start3A_157 = arith.constant 0 : i32
      %dma_start3A_158 = tpu.memref_slice %arg5[%add3A_156, %dma_start3A_157] : memref<50x128xi32, #tpu.memory_space<vmem>> -> memref<1x128xi32, #tpu.memory_space<vmem>>
      %dma_start3A_159 = tpu.memref_squeeze %dma_start3A_158 : memref<1x128xi32, #tpu.memory_space<vmem>> -> memref<128xi32, #tpu.memory_space<vmem>>
      %dma_start3A_160 = arith.constant 0 : i32
      %dma_start3A_161 = arith.constant 0 : i32
      %dma_start3A_162 = tpu.memref_slice %arg3[%dma_start3A_160, %dma_start3A_161] : memref<100000x128xf32, #tpu.memory_space<hbm>> -> memref<100000x128xf32, #tpu.memory_space<hbm>>
      tpu.enqueue_indirect_dma source(%dma_start3A_162 : memref<100000x128xf32, #tpu.memory_space<hbm>>) target(%arg6 : memref<128x128xf32, #tpu.memory_space<vmem>>) offsets(%dma_start3A_159 : memref<128xi32, #tpu.memory_space<vmem>>) semaphore(%arg11 : memref<!tpu.dma_semaphore, #tpu.memory_space<semaphore_mem>>)
      %mul3A_163 = arith.constant 5 : i32
      %mul3A_164 = arith.muli %scan3A_131, %mul3A_163 : i32
      %add3A_165 = arith.constant 1 : i32
      %add3A_166 = arith.addi %mul3A_164, %add3A_165 : i32
      %dma_wait3A_167 = arith.constant 0 : i32
      %dma_wait3A_168 = arith.constant 0 : i32
      %dma_wait3A_169 = tpu.memref_slice %arg3[%dma_wait3A_167, %dma_wait3A_168] : memref<100000x128xf32, #tpu.memory_space<hbm>> -> memref<128x128xf32, #tpu.memory_space<hbm>>
      %dma_wait3A_170 = arith.constant 0 : i32
      %dma_wait3A_171 = arith.constant 0 : i32
      %dma_wait3A_172 = tpu.memref_slice %arg3[%dma_wait3A_170, %dma_wait3A_171] : memref<100000x128xf32, #tpu.memory_space<hbm>> -> memref<128x128xf32, #tpu.memory_space<hbm>>
      tpu.wait_dma2 semaphore(%arg12 : memref<!tpu.dma_semaphore, #tpu.memory_space<semaphore_mem>>) src(%dma_wait3A_172 : memref<128x128xf32, #tpu.memory_space<hbm>>) dst(%arg7 : memref<128x128xf32, #tpu.memory_space<vmem>>)
      %mul3A_173 = arith.constant 4096 : i32
      %mul3A_174 = arith.muli %add3A_166, %mul3A_173 : i32
      %add3A_175 = arith.addi %mul3A_174, %mul3A_2 : i32
      %dma_start3A_176 = arith.constant 0 : i32
      %dma_start3A_177 = tpu.memref_slice %arg4[%add3A_175, %dma_start3A_176] : memref<204800x128xf32, #tpu.memory_space<hbm>> -> memref<128x128xf32, #tpu.memory_space<hbm>>
      %dma_start3A_178 = arith.constant 0 : i32
      %dma_start3A_179 = tpu.memref_slice %arg4[%add3A_175, %dma_start3A_178] : memref<204800x128xf32, #tpu.memory_space<hbm>> -> memref<128x128xf32, #tpu.memory_space<hbm>>
      tpu.enqueue_dma source(%arg7 : memref<128x128xf32, #tpu.memory_space<vmem>>) target(%dma_start3A_179 : memref<128x128xf32, #tpu.memory_space<hbm>>) target_semaphore(%arg17 : memref<!tpu.dma_semaphore, #tpu.memory_space<semaphore_mem>>)
      %dma_wait3A_180 = arith.constant 0 : i32
      %dma_wait3A_181 = arith.constant 0 : i32
      %dma_wait3A_182 = tpu.memref_slice %arg4[%dma_wait3A_180, %dma_wait3A_181] : memref<204800x128xf32, #tpu.memory_space<hbm>> -> memref<128x128xf32, #tpu.memory_space<hbm>>
      %dma_wait3A_183 = arith.constant 0 : i32
      %dma_wait3A_184 = arith.constant 0 : i32
      %dma_wait3A_185 = tpu.memref_slice %arg4[%dma_wait3A_183, %dma_wait3A_184] : memref<204800x128xf32, #tpu.memory_space<hbm>> -> memref<128x128xf32, #tpu.memory_space<hbm>>
      tpu.wait_dma2 semaphore(%arg17 : memref<!tpu.dma_semaphore, #tpu.memory_space<semaphore_mem>>) src(%arg7 : memref<128x128xf32, #tpu.memory_space<vmem>>) dst(%dma_wait3A_185 : memref<128x128xf32, #tpu.memory_space<hbm>>)
      %add3A_186 = arith.constant 5 : i32
      %add3A_187 = arith.addi %add3A_166, %add3A_186 : i32
      %dma_start3A_188 = arith.constant 0 : i32
      %dma_start3A_189 = tpu.memref_slice %arg5[%add3A_187, %dma_start3A_188] : memref<50x128xi32, #tpu.memory_space<vmem>> -> memref<1x128xi32, #tpu.memory_space<vmem>>
      %dma_start3A_190 = tpu.memref_squeeze %dma_start3A_189 : memref<1x128xi32, #tpu.memory_space<vmem>> -> memref<128xi32, #tpu.memory_space<vmem>>
      %dma_start3A_191 = arith.constant 0 : i32
      %dma_start3A_192 = arith.constant 0 : i32
      %dma_start3A_193 = tpu.memref_slice %arg3[%dma_start3A_191, %dma_start3A_192] : memref<100000x128xf32, #tpu.memory_space<hbm>> -> memref<100000x128xf32, #tpu.memory_space<hbm>>
      tpu.enqueue_indirect_dma source(%dma_start3A_193 : memref<100000x128xf32, #tpu.memory_space<hbm>>) target(%arg7 : memref<128x128xf32, #tpu.memory_space<vmem>>) offsets(%dma_start3A_190 : memref<128xi32, #tpu.memory_space<vmem>>) semaphore(%arg12 : memref<!tpu.dma_semaphore, #tpu.memory_space<semaphore_mem>>)
      %mul3A_194 = arith.constant 5 : i32
      %mul3A_195 = arith.muli %scan3A_131, %mul3A_194 : i32
      %add3A_196 = arith.constant 2 : i32
      %add3A_197 = arith.addi %mul3A_195, %add3A_196 : i32
      %dma_wait3A_198 = arith.constant 0 : i32
      %dma_wait3A_199 = arith.constant 0 : i32
      %dma_wait3A_200 = tpu.memref_slice %arg3[%dma_wait3A_198, %dma_wait3A_199] : memref<100000x128xf32, #tpu.memory_space<hbm>> -> memref<128x128xf32, #tpu.memory_space<hbm>>
      %dma_wait3A_201 = arith.constant 0 : i32
      %dma_wait3A_202 = arith.constant 0 : i32
      %dma_wait3A_203 = tpu.memref_slice %arg3[%dma_wait3A_201, %dma_wait3A_202] : memref<100000x128xf32, #tpu.memory_space<hbm>> -> memref<128x128xf32, #tpu.memory_space<hbm>>
      tpu.wait_dma2 semaphore(%arg13 : memref<!tpu.dma_semaphore, #tpu.memory_space<semaphore_mem>>) src(%dma_wait3A_203 : memref<128x128xf32, #tpu.memory_space<hbm>>) dst(%arg8 : memref<128x128xf32, #tpu.memory_space<vmem>>)
      %mul3A_204 = arith.constant 4096 : i32
      %mul3A_205 = arith.muli %add3A_197, %mul3A_204 : i32
      %add3A_206 = arith.addi %mul3A_205, %mul3A_2 : i32
      %dma_start3A_207 = arith.constant 0 : i32
      %dma_start3A_208 = tpu.memref_slice %arg4[%add3A_206, %dma_start3A_207] : memref<204800x128xf32, #tpu.memory_space<hbm>> -> memref<128x128xf32, #tpu.memory_space<hbm>>
      %dma_start3A_209 = arith.constant 0 : i32
      %dma_start3A_210 = tpu.memref_slice %arg4[%add3A_206, %dma_start3A_209] : memref<204800x128xf32, #tpu.memory_space<hbm>> -> memref<128x128xf32, #tpu.memory_space<hbm>>
      tpu.enqueue_dma source(%arg8 : memref<128x128xf32, #tpu.memory_space<vmem>>) target(%dma_start3A_210 : memref<128x128xf32, #tpu.memory_space<hbm>>) target_semaphore(%arg18 : memref<!tpu.dma_semaphore, #tpu.memory_space<semaphore_mem>>)
      %dma_wait3A_211 = arith.constant 0 : i32
      %dma_wait3A_212 = arith.constant 0 : i32
      %dma_wait3A_213 = tpu.memref_slice %arg4[%dma_wait3A_211, %dma_wait3A_212] : memref<204800x128xf32, #tpu.memory_space<hbm>> -> memref<128x128xf32, #tpu.memory_space<hbm>>
      %dma_wait3A_214 = arith.constant 0 : i32
      %dma_wait3A_215 = arith.constant 0 : i32
      %dma_wait3A_216 = tpu.memref_slice %arg4[%dma_wait3A_214, %dma_wait3A_215] : memref<204800x128xf32, #tpu.memory_space<hbm>> -> memref<128x128xf32, #tpu.memory_space<hbm>>
      tpu.wait_dma2 semaphore(%arg18 : memref<!tpu.dma_semaphore, #tpu.memory_space<semaphore_mem>>) src(%arg8 : memref<128x128xf32, #tpu.memory_space<vmem>>) dst(%dma_wait3A_216 : memref<128x128xf32, #tpu.memory_space<hbm>>)
      %add3A_217 = arith.constant 5 : i32
      %add3A_218 = arith.addi %add3A_197, %add3A_217 : i32
      %dma_start3A_219 = arith.constant 0 : i32
      %dma_start3A_220 = tpu.memref_slice %arg5[%add3A_218, %dma_start3A_219] : memref<50x128xi32, #tpu.memory_space<vmem>> -> memref<1x128xi32, #tpu.memory_space<vmem>>
      %dma_start3A_221 = tpu.memref_squeeze %dma_start3A_220 : memref<1x128xi32, #tpu.memory_space<vmem>> -> memref<128xi32, #tpu.memory_space<vmem>>
      %dma_start3A_222 = arith.constant 0 : i32
      %dma_start3A_223 = arith.constant 0 : i32
      %dma_start3A_224 = tpu.memref_slice %arg3[%dma_start3A_222, %dma_start3A_223] : memref<100000x128xf32, #tpu.memory_space<hbm>> -> memref<100000x128xf32, #tpu.memory_space<hbm>>
      tpu.enqueue_indirect_dma source(%dma_start3A_224 : memref<100000x128xf32, #tpu.memory_space<hbm>>) target(%arg8 : memref<128x128xf32, #tpu.memory_space<vmem>>) offsets(%dma_start3A_221 : memref<128xi32, #tpu.memory_space<vmem>>) semaphore(%arg13 : memref<!tpu.dma_semaphore, #tpu.memory_space<semaphore_mem>>)
      %mul3A_225 = arith.constant 5 : i32
      %mul3A_226 = arith.muli %scan3A_131, %mul3A_225 : i32
      %add3A_227 = arith.constant 3 : i32
      %add3A_228 = arith.addi %mul3A_226, %add3A_227 : i32
      %dma_wait3A_229 = arith.constant 0 : i32
      %dma_wait3A_230 = arith.constant 0 : i32
      %dma_wait3A_231 = tpu.memref_slice %arg3[%dma_wait3A_229, %dma_wait3A_230] : memref<100000x128xf32, #tpu.memory_space<hbm>> -> memref<128x128xf32, #tpu.memory_space<hbm>>
      %dma_wait3A_232 = arith.constant 0 : i32
      %dma_wait3A_233 = arith.constant 0 : i32
      %dma_wait3A_234 = tpu.memref_slice %arg3[%dma_wait3A_232, %dma_wait3A_233] : memref<100000x128xf32, #tpu.memory_space<hbm>> -> memref<128x128xf32, #tpu.memory_space<hbm>>
      tpu.wait_dma2 semaphore(%arg14 : memref<!tpu.dma_semaphore, #tpu.memory_space<semaphore_mem>>) src(%dma_wait3A_234 : memref<128x128xf32, #tpu.memory_space<hbm>>) dst(%arg9 : memref<128x128xf32, #tpu.memory_space<vmem>>)
      %mul3A_235 = arith.constant 4096 : i32
      %mul3A_236 = arith.muli %add3A_228, %mul3A_235 : i32
      %add3A_237 = arith.addi %mul3A_236, %mul3A_2 : i32
      %dma_start3A_238 = arith.constant 0 : i32
      %dma_start3A_239 = tpu.memref_slice %arg4[%add3A_237, %dma_start3A_238] : memref<204800x128xf32, #tpu.memory_space<hbm>> -> memref<128x128xf32, #tpu.memory_space<hbm>>
      %dma_start3A_240 = arith.constant 0 : i32
      %dma_start3A_241 = tpu.memref_slice %arg4[%add3A_237, %dma_start3A_240] : memref<204800x128xf32, #tpu.memory_space<hbm>> -> memref<128x128xf32, #tpu.memory_space<hbm>>
      tpu.enqueue_dma source(%arg9 : memref<128x128xf32, #tpu.memory_space<vmem>>) target(%dma_start3A_241 : memref<128x128xf32, #tpu.memory_space<hbm>>) target_semaphore(%arg19 : memref<!tpu.dma_semaphore, #tpu.memory_space<semaphore_mem>>)
      %dma_wait3A_242 = arith.constant 0 : i32
      %dma_wait3A_243 = arith.constant 0 : i32
      %dma_wait3A_244 = tpu.memref_slice %arg4[%dma_wait3A_242, %dma_wait3A_243] : memref<204800x128xf32, #tpu.memory_space<hbm>> -> memref<128x128xf32, #tpu.memory_space<hbm>>
      %dma_wait3A_245 = arith.constant 0 : i32
      %dma_wait3A_246 = arith.constant 0 : i32
      %dma_wait3A_247 = tpu.memref_slice %arg4[%dma_wait3A_245, %dma_wait3A_246] : memref<204800x128xf32, #tpu.memory_space<hbm>> -> memref<128x128xf32, #tpu.memory_space<hbm>>
      tpu.wait_dma2 semaphore(%arg19 : memref<!tpu.dma_semaphore, #tpu.memory_space<semaphore_mem>>) src(%arg9 : memref<128x128xf32, #tpu.memory_space<vmem>>) dst(%dma_wait3A_247 : memref<128x128xf32, #tpu.memory_space<hbm>>)
      %add3A_248 = arith.constant 5 : i32
      %add3A_249 = arith.addi %add3A_228, %add3A_248 : i32
      %dma_start3A_250 = arith.constant 0 : i32
      %dma_start3A_251 = tpu.memref_slice %arg5[%add3A_249, %dma_start3A_250] : memref<50x128xi32, #tpu.memory_space<vmem>> -> memref<1x128xi32, #tpu.memory_space<vmem>>
      %dma_start3A_252 = tpu.memref_squeeze %dma_start3A_251 : memref<1x128xi32, #tpu.memory_space<vmem>> -> memref<128xi32, #tpu.memory_space<vmem>>
      %dma_start3A_253 = arith.constant 0 : i32
      %dma_start3A_254 = arith.constant 0 : i32
      %dma_start3A_255 = tpu.memref_slice %arg3[%dma_start3A_253, %dma_start3A_254] : memref<100000x128xf32, #tpu.memory_space<hbm>> -> memref<100000x128xf32, #tpu.memory_space<hbm>>
      tpu.enqueue_indirect_dma source(%dma_start3A_255 : memref<100000x128xf32, #tpu.memory_space<hbm>>) target(%arg9 : memref<128x128xf32, #tpu.memory_space<vmem>>) offsets(%dma_start3A_252 : memref<128xi32, #tpu.memory_space<vmem>>) semaphore(%arg14 : memref<!tpu.dma_semaphore, #tpu.memory_space<semaphore_mem>>)
      %mul3A_256 = arith.constant 5 : i32
      %mul3A_257 = arith.muli %scan3A_131, %mul3A_256 : i32
      %add3A_258 = arith.constant 4 : i32
      %add3A_259 = arith.addi %mul3A_257, %add3A_258 : i32
      %dma_wait3A_260 = arith.constant 0 : i32
      %dma_wait3A_261 = arith.constant 0 : i32
      %dma_wait3A_262 = tpu.memref_slice %arg3[%dma_wait3A_260, %dma_wait3A_261] : memref<100000x128xf32, #tpu.memory_space<hbm>> -> memref<128x128xf32, #tpu.memory_space<hbm>>
      %dma_wait3A_263 = arith.constant 0 : i32
      %dma_wait3A_264 = arith.constant 0 : i32
      %dma_wait3A_265 = tpu.memref_slice %arg3[%dma_wait3A_263, %dma_wait3A_264] : memref<100000x128xf32, #tpu.memory_space<hbm>> -> memref<128x128xf32, #tpu.memory_space<hbm>>
      tpu.wait_dma2 semaphore(%arg15 : memref<!tpu.dma_semaphore, #tpu.memory_space<semaphore_mem>>) src(%dma_wait3A_265 : memref<128x128xf32, #tpu.memory_space<hbm>>) dst(%arg10 : memref<128x128xf32, #tpu.memory_space<vmem>>)
      %mul3A_266 = arith.constant 4096 : i32
      %mul3A_267 = arith.muli %add3A_259, %mul3A_266 : i32
      %add3A_268 = arith.addi %mul3A_267, %mul3A_2 : i32
      %dma_start3A_269 = arith.constant 0 : i32
      %dma_start3A_270 = tpu.memref_slice %arg4[%add3A_268, %dma_start3A_269] : memref<204800x128xf32, #tpu.memory_space<hbm>> -> memref<128x128xf32, #tpu.memory_space<hbm>>
      %dma_start3A_271 = arith.constant 0 : i32
      %dma_start3A_272 = tpu.memref_slice %arg4[%add3A_268, %dma_start3A_271] : memref<204800x128xf32, #tpu.memory_space<hbm>> -> memref<128x128xf32, #tpu.memory_space<hbm>>
      tpu.enqueue_dma source(%arg10 : memref<128x128xf32, #tpu.memory_space<vmem>>) target(%dma_start3A_272 : memref<128x128xf32, #tpu.memory_space<hbm>>) target_semaphore(%arg20 : memref<!tpu.dma_semaphore, #tpu.memory_space<semaphore_mem>>)
      %dma_wait3A_273 = arith.constant 0 : i32
      %dma_wait3A_274 = arith.constant 0 : i32
      %dma_wait3A_275 = tpu.memref_slice %arg4[%dma_wait3A_273, %dma_wait3A_274] : memref<204800x128xf32, #tpu.memory_space<hbm>> -> memref<128x128xf32, #tpu.memory_space<hbm>>
      %dma_wait3A_276 = arith.constant 0 : i32
      %dma_wait3A_277 = arith.constant 0 : i32
      %dma_wait3A_278 = tpu.memref_slice %arg4[%dma_wait3A_276, %dma_wait3A_277] : memref<204800x128xf32, #tpu.memory_space<hbm>> -> memref<128x128xf32, #tpu.memory_space<hbm>>
      tpu.wait_dma2 semaphore(%arg20 : memref<!tpu.dma_semaphore, #tpu.memory_space<semaphore_mem>>) src(%arg10 : memref<128x128xf32, #tpu.memory_space<vmem>>) dst(%dma_wait3A_278 : memref<128x128xf32, #tpu.memory_space<hbm>>)
      %add3A_279 = arith.constant 5 : i32
      %add3A_280 = arith.addi %add3A_259, %add3A_279 : i32
      %dma_start3A_281 = arith.constant 0 : i32
      %dma_start3A_282 = tpu.memref_slice %arg5[%add3A_280, %dma_start3A_281] : memref<50x128xi32, #tpu.memory_space<vmem>> -> memref<1x128xi32, #tpu.memory_space<vmem>>
      %dma_start3A_283 = tpu.memref_squeeze %dma_start3A_282 : memref<1x128xi32, #tpu.memory_space<vmem>> -> memref<128xi32, #tpu.memory_space<vmem>>
      %dma_start3A_284 = arith.constant 0 : i32
      %dma_start3A_285 = arith.constant 0 : i32
      %dma_start3A_286 = tpu.memref_slice %arg3[%dma_start3A_284, %dma_start3A_285] : memref<100000x128xf32, #tpu.memory_space<hbm>> -> memref<100000x128xf32, #tpu.memory_space<hbm>>
      tpu.enqueue_indirect_dma source(%dma_start3A_286 : memref<100000x128xf32, #tpu.memory_space<hbm>>) target(%arg10 : memref<128x128xf32, #tpu.memory_space<vmem>>) offsets(%dma_start3A_283 : memref<128xi32, #tpu.memory_space<vmem>>) semaphore(%arg15 : memref<!tpu.dma_semaphore, #tpu.memory_space<semaphore_mem>>)
    }
    %scan3A_41 = arith.constant 9 : i32
    %dma_wait3A = arith.constant 0 : i32
    %dma_wait3A_42 = arith.constant 0 : i32
    %dma_wait3A_43 = tpu.memref_slice %arg3[%dma_wait3A, %dma_wait3A_42] : memref<100000x128xf32, #tpu.memory_space<hbm>> -> memref<128x128xf32, #tpu.memory_space<hbm>>
    %dma_wait3A_44 = arith.constant 0 : i32
    %dma_wait3A_45 = arith.constant 0 : i32
    %dma_wait3A_46 = tpu.memref_slice %arg3[%dma_wait3A_44, %dma_wait3A_45] : memref<100000x128xf32, #tpu.memory_space<hbm>> -> memref<128x128xf32, #tpu.memory_space<hbm>>
    tpu.wait_dma2 semaphore(%arg11 : memref<!tpu.dma_semaphore, #tpu.memory_space<semaphore_mem>>) src(%dma_wait3A_46 : memref<128x128xf32, #tpu.memory_space<hbm>>) dst(%arg6 : memref<128x128xf32, #tpu.memory_space<vmem>>)
    %add3A_47 = arith.constant 184320 : i32
    %add3A_48 = arith.addi %add3A_47, %mul3A_2 : i32
    %dma_start3A_49 = arith.constant 0 : i32
    %dma_start3A_50 = tpu.memref_slice %arg4[%add3A_48, %dma_start3A_49] : memref<204800x128xf32, #tpu.memory_space<hbm>> -> memref<128x128xf32, #tpu.memory_space<hbm>>
    %dma_start3A_51 = arith.constant 0 : i32
    %dma_start3A_52 = tpu.memref_slice %arg4[%add3A_48, %dma_start3A_51] : memref<204800x128xf32, #tpu.memory_space<hbm>> -> memref<128x128xf32, #tpu.memory_space<hbm>>
    tpu.enqueue_dma source(%arg6 : memref<128x128xf32, #tpu.memory_space<vmem>>) target(%dma_start3A_52 : memref<128x128xf32, #tpu.memory_space<hbm>>) target_semaphore(%arg16 : memref<!tpu.dma_semaphore, #tpu.memory_space<semaphore_mem>>)
    %dma_wait3A_53 = arith.constant 0 : i32
    %dma_wait3A_54 = arith.constant 0 : i32
    %dma_wait3A_55 = tpu.memref_slice %arg3[%dma_wait3A_53, %dma_wait3A_54] : memref<100000x128xf32, #tpu.memory_space<hbm>> -> memref<128x128xf32, #tpu.memory_space<hbm>>
    %dma_wait3A_56 = arith.constant 0 : i32
    %dma_wait3A_57 = arith.constant 0 : i32
    %dma_wait3A_58 = tpu.memref_slice %arg3[%dma_wait3A_56, %dma_wait3A_57] : memref<100000x128xf32, #tpu.memory_space<hbm>> -> memref<128x128xf32, #tpu.memory_space<hbm>>
    tpu.wait_dma2 semaphore(%arg12 : memref<!tpu.dma_semaphore, #tpu.memory_space<semaphore_mem>>) src(%dma_wait3A_58 : memref<128x128xf32, #tpu.memory_space<hbm>>) dst(%arg7 : memref<128x128xf32, #tpu.memory_space<vmem>>)
    %add3A_59 = arith.constant 188416 : i32
    %add3A_60 = arith.addi %add3A_59, %mul3A_2 : i32
    %dma_start3A_61 = arith.constant 0 : i32
    %dma_start3A_62 = tpu.memref_slice %arg4[%add3A_60, %dma_start3A_61] : memref<204800x128xf32, #tpu.memory_space<hbm>> -> memref<128x128xf32, #tpu.memory_space<hbm>>
    %dma_start3A_63 = arith.constant 0 : i32
    %dma_start3A_64 = tpu.memref_slice %arg4[%add3A_60, %dma_start3A_63] : memref<204800x128xf32, #tpu.memory_space<hbm>> -> memref<128x128xf32, #tpu.memory_space<hbm>>
    tpu.enqueue_dma source(%arg7 : memref<128x128xf32, #tpu.memory_space<vmem>>) target(%dma_start3A_64 : memref<128x128xf32, #tpu.memory_space<hbm>>) target_semaphore(%arg17 : memref<!tpu.dma_semaphore, #tpu.memory_space<semaphore_mem>>)
    %dma_wait3A_65 = arith.constant 0 : i32
    %dma_wait3A_66 = arith.constant 0 : i32
    %dma_wait3A_67 = tpu.memref_slice %arg3[%dma_wait3A_65, %dma_wait3A_66] : memref<100000x128xf32, #tpu.memory_space<hbm>> -> memref<128x128xf32, #tpu.memory_space<hbm>>
    %dma_wait3A_68 = arith.constant 0 : i32
    %dma_wait3A_69 = arith.constant 0 : i32
    %dma_wait3A_70 = tpu.memref_slice %arg3[%dma_wait3A_68, %dma_wait3A_69] : memref<100000x128xf32, #tpu.memory_space<hbm>> -> memref<128x128xf32, #tpu.memory_space<hbm>>
    tpu.wait_dma2 semaphore(%arg13 : memref<!tpu.dma_semaphore, #tpu.memory_space<semaphore_mem>>) src(%dma_wait3A_70 : memref<128x128xf32, #tpu.memory_space<hbm>>) dst(%arg8 : memref<128x128xf32, #tpu.memory_space<vmem>>)
    %add3A_71 = arith.constant 192512 : i32
    %add3A_72 = arith.addi %add3A_71, %mul3A_2 : i32
    %dma_start3A_73 = arith.constant 0 : i32
    %dma_start3A_74 = tpu.memref_slice %arg4[%add3A_72, %dma_start3A_73] : memref<204800x128xf32, #tpu.memory_space<hbm>> -> memref<128x128xf32, #tpu.memory_space<hbm>>
    %dma_start3A_75 = arith.constant 0 : i32
    %dma_start3A_76 = tpu.memref_slice %arg4[%add3A_72, %dma_start3A_75] : memref<204800x128xf32, #tpu.memory_space<hbm>> -> memref<128x128xf32, #tpu.memory_space<hbm>>
    tpu.enqueue_dma source(%arg8 : memref<128x128xf32, #tpu.memory_space<vmem>>) target(%dma_start3A_76 : memref<128x128xf32, #tpu.memory_space<hbm>>) target_semaphore(%arg18 : memref<!tpu.dma_semaphore, #tpu.memory_space<semaphore_mem>>)
    %dma_wait3A_77 = arith.constant 0 : i32
    %dma_wait3A_78 = arith.constant 0 : i32
    %dma_wait3A_79 = tpu.memref_slice %arg3[%dma_wait3A_77, %dma_wait3A_78] : memref<100000x128xf32, #tpu.memory_space<hbm>> -> memref<128x128xf32, #tpu.memory_space<hbm>>
    %dma_wait3A_80 = arith.constant 0 : i32
    %dma_wait3A_81 = arith.constant 0 : i32
    %dma_wait3A_82 = tpu.memref_slice %arg3[%dma_wait3A_80, %dma_wait3A_81] : memref<100000x128xf32, #tpu.memory_space<hbm>> -> memref<128x128xf32, #tpu.memory_space<hbm>>
    tpu.wait_dma2 semaphore(%arg14 : memref<!tpu.dma_semaphore, #tpu.memory_space<semaphore_mem>>) src(%dma_wait3A_82 : memref<128x128xf32, #tpu.memory_space<hbm>>) dst(%arg9 : memref<128x128xf32, #tpu.memory_space<vmem>>)
    %add3A_83 = arith.constant 196608 : i32
    %add3A_84 = arith.addi %add3A_83, %mul3A_2 : i32
    %dma_start3A_85 = arith.constant 0 : i32
    %dma_start3A_86 = tpu.memref_slice %arg4[%add3A_84, %dma_start3A_85] : memref<204800x128xf32, #tpu.memory_space<hbm>> -> memref<128x128xf32, #tpu.memory_space<hbm>>
    %dma_start3A_87 = arith.constant 0 : i32
    %dma_start3A_88 = tpu.memref_slice %arg4[%add3A_84, %dma_start3A_87] : memref<204800x128xf32, #tpu.memory_space<hbm>> -> memref<128x128xf32, #tpu.memory_space<hbm>>
    tpu.enqueue_dma source(%arg9 : memref<128x128xf32, #tpu.memory_space<vmem>>) target(%dma_start3A_88 : memref<128x128xf32, #tpu.memory_space<hbm>>) target_semaphore(%arg19 : memref<!tpu.dma_semaphore, #tpu.memory_space<semaphore_mem>>)
    %dma_wait3A_89 = arith.constant 0 : i32
    %dma_wait3A_90 = arith.constant 0 : i32
    %dma_wait3A_91 = tpu.memref_slice %arg3[%dma_wait3A_89, %dma_wait3A_90] : memref<100000x128xf32, #tpu.memory_space<hbm>> -> memref<128x128xf32, #tpu.memory_space<hbm>>
    %dma_wait3A_92 = arith.constant 0 : i32
    %dma_wait3A_93 = arith.constant 0 : i32
    %dma_wait3A_94 = tpu.memref_slice %arg3[%dma_wait3A_92, %dma_wait3A_93] : memref<100000x128xf32, #tpu.memory_space<hbm>> -> memref<128x128xf32, #tpu.memory_space<hbm>>
    tpu.wait_dma2 semaphore(%arg15 : memref<!tpu.dma_semaphore, #tpu.memory_space<semaphore_mem>>) src(%dma_wait3A_94 : memref<128x128xf32, #tpu.memory_space<hbm>>) dst(%arg10 : memref<128x128xf32, #tpu.memory_space<vmem>>)
    %add3A_95 = arith.constant 200704 : i32
    %add3A_96 = arith.addi %add3A_95, %mul3A_2 : i32
    %dma_start3A_97 = arith.constant 0 : i32
    %dma_start3A_98 = tpu.memref_slice %arg4[%add3A_96, %dma_start3A_97] : memref<204800x128xf32, #tpu.memory_space<hbm>> -> memref<128x128xf32, #tpu.memory_space<hbm>>
    %dma_start3A_99 = arith.constant 0 : i32
    %dma_start3A_100 = tpu.memref_slice %arg4[%add3A_96, %dma_start3A_99] : memref<204800x128xf32, #tpu.memory_space<hbm>> -> memref<128x128xf32, #tpu.memory_space<hbm>>
    tpu.enqueue_dma source(%arg10 : memref<128x128xf32, #tpu.memory_space<vmem>>) target(%dma_start3A_100 : memref<128x128xf32, #tpu.memory_space<hbm>>) target_semaphore(%arg20 : memref<!tpu.dma_semaphore, #tpu.memory_space<semaphore_mem>>)
    %dma_wait3A_101 = arith.constant 0 : i32
    %dma_wait3A_102 = arith.constant 0 : i32
    %dma_wait3A_103 = tpu.memref_slice %arg4[%dma_wait3A_101, %dma_wait3A_102] : memref<204800x128xf32, #tpu.memory_space<hbm>> -> memref<128x128xf32, #tpu.memory_space<hbm>>
    %dma_wait3A_104 = arith.constant 0 : i32
    %dma_wait3A_105 = arith.constant 0 : i32
    %dma_wait3A_106 = tpu.memref_slice %arg4[%dma_wait3A_104, %dma_wait3A_105] : memref<204800x128xf32, #tpu.memory_space<hbm>> -> memref<128x128xf32, #tpu.memory_space<hbm>>
    tpu.wait_dma2 semaphore(%arg16 : memref<!tpu.dma_semaphore, #tpu.memory_space<semaphore_mem>>) src(%arg6 : memref<128x128xf32, #tpu.memory_space<vmem>>) dst(%dma_wait3A_106 : memref<128x128xf32, #tpu.memory_space<hbm>>)
    %dma_wait3A_107 = arith.constant 0 : i32
    %dma_wait3A_108 = arith.constant 0 : i32
    %dma_wait3A_109 = tpu.memref_slice %arg4[%dma_wait3A_107, %dma_wait3A_108] : memref<204800x128xf32, #tpu.memory_space<hbm>> -> memref<128x128xf32, #tpu.memory_space<hbm>>
    %dma_wait3A_110 = arith.constant 0 : i32
    %dma_wait3A_111 = arith.constant 0 : i32
    %dma_wait3A_112 = tpu.memref_slice %arg4[%dma_wait3A_110, %dma_wait3A_111] : memref<204800x128xf32, #tpu.memory_space<hbm>> -> memref<128x128xf32, #tpu.memory_space<hbm>>
    tpu.wait_dma2 semaphore(%arg17 : memref<!tpu.dma_semaphore, #tpu.memory_space<semaphore_mem>>) src(%arg7 : memref<128x128xf32, #tpu.memory_space<vmem>>) dst(%dma_wait3A_112 : memref<128x128xf32, #tpu.memory_space<hbm>>)
    %dma_wait3A_113 = arith.constant 0 : i32
    %dma_wait3A_114 = arith.constant 0 : i32
    %dma_wait3A_115 = tpu.memref_slice %arg4[%dma_wait3A_113, %dma_wait3A_114] : memref<204800x128xf32, #tpu.memory_space<hbm>> -> memref<128x128xf32, #tpu.memory_space<hbm>>
    %dma_wait3A_116 = arith.constant 0 : i32
    %dma_wait3A_117 = arith.constant 0 : i32
    %dma_wait3A_118 = tpu.memref_slice %arg4[%dma_wait3A_116, %dma_wait3A_117] : memref<204800x128xf32, #tpu.memory_space<hbm>> -> memref<128x128xf32, #tpu.memory_space<hbm>>
    tpu.wait_dma2 semaphore(%arg18 : memref<!tpu.dma_semaphore, #tpu.memory_space<semaphore_mem>>) src(%arg8 : memref<128x128xf32, #tpu.memory_space<vmem>>) dst(%dma_wait3A_118 : memref<128x128xf32, #tpu.memory_space<hbm>>)
    %dma_wait3A_119 = arith.constant 0 : i32
    %dma_wait3A_120 = arith.constant 0 : i32
    %dma_wait3A_121 = tpu.memref_slice %arg4[%dma_wait3A_119, %dma_wait3A_120] : memref<204800x128xf32, #tpu.memory_space<hbm>> -> memref<128x128xf32, #tpu.memory_space<hbm>>
    %dma_wait3A_122 = arith.constant 0 : i32
    %dma_wait3A_123 = arith.constant 0 : i32
    %dma_wait3A_124 = tpu.memref_slice %arg4[%dma_wait3A_122, %dma_wait3A_123] : memref<204800x128xf32, #tpu.memory_space<hbm>> -> memref<128x128xf32, #tpu.memory_space<hbm>>
    tpu.wait_dma2 semaphore(%arg19 : memref<!tpu.dma_semaphore, #tpu.memory_space<semaphore_mem>>) src(%arg9 : memref<128x128xf32, #tpu.memory_space<vmem>>) dst(%dma_wait3A_124 : memref<128x128xf32, #tpu.memory_space<hbm>>)
    %dma_wait3A_125 = arith.constant 0 : i32
    %dma_wait3A_126 = arith.constant 0 : i32
    %dma_wait3A_127 = tpu.memref_slice %arg4[%dma_wait3A_125, %dma_wait3A_126] : memref<204800x128xf32, #tpu.memory_space<hbm>> -> memref<128x128xf32, #tpu.memory_space<hbm>>
    %dma_wait3A_128 = arith.constant 0 : i32
    %dma_wait3A_129 = arith.constant 0 : i32
    %dma_wait3A_130 = tpu.memref_slice %arg4[%dma_wait3A_128, %dma_wait3A_129] : memref<204800x128xf32, #tpu.memory_space<hbm>> -> memref<128x128xf32, #tpu.memory_space<hbm>>
    tpu.wait_dma2 semaphore(%arg20 : memref<!tpu.dma_semaphore, #tpu.memory_space<semaphore_mem>>) src(%arg10 : memref<128x128xf32, #tpu.memory_space<vmem>>) dst(%dma_wait3A_130 : memref<128x128xf32, #tpu.memory_space<hbm>>)
    return
  }
}

</mosaic_0001>

<sc_bundles>
// kernel: kernel.3.cloned.1.call-start
scs
__scs_entry_jumppad:
0x0: {  	(pc) =	sbr.rel $0x88, $3  }
0x1: {  	(tag) =	ssettag $0x0;
	lr =	simm.s32 $0x1  }
0x2: {  	[smem:$0x3F9F] =	sst lr;
	_ =	strace $0xD0000000  }
0x3: {  	_ = 	snop  }
0x4: {  	_ = 	snop  }
0x5: {  	_ = 	snop  }
0x6: {  	_ = 	snop  }
0x7: {  	_ = 	snop  }
__scs_overlays_trampoline_lowered:
0x8: {  	[smem:$0x3FAE] =	sst s0  }
0x9: {  	[smem:$0x3FAF] =	sst s1  }
0xa: {  	[smem:$0x3FB0] =	sst s2  }
0xb: {  	[smem:$0x3FB1] =	sst s3  }
0xc: {  	[smem:$0x3FB2] =	sst s4  }
0xd: {  	[smem:$0x3FB3] =	sst s5  }
0xe: {  	[smem:$0x3FB4] =	sst s6  }
0xf: {  	[smem:$0x3FB5] =	sst s7  }
0x10: {  	[smem:$0x3FB6] =	sst s8  }
0x11: {  	[smem:$0x3FB7] =	sst s9;
	s0 =	simm.s32 @!p0 $0x0  }
0x12: {  	s1 =	sld [smem:$0x3F9D];
	s0 =	simm.s32 @p0 $0x1  }
0x13: {  	[smem:$0x3FB8] =	sst s0;
	s0 =	simm.s32 @!p1 $0x0  }
0x14: {  	s2 =	sld [smem:$0x3F9C];
	s0 =	simm.s32 @p1 $0x1  }
0x15: {  	[smem:$0x3FB9] =	sst s0;
	s0 =	simm.s32 @!p2 $0x0  }
0x16: {  	s3 =	sld [smem:$0x3FDB];
	s0 =	simm.s32 @p2 $0x1  }
0x17: {  	s4 =	simm.s32 $0x1BF5;
	[smem:$0x3FBB] =	sst s0  }
0x18: {  	s0 =	sld [smem:$0x3F9E];
	_ =	swait.ge [sflag:s4], $0x0  }
0x19: {  	s7 =	sld [smem:$0x3F9F]  }
0x1a: {  	s8 =	sadd.s32 $0xFFFFE003, lr  }
0x1b: {  	s9 =	sadd.s32 $0xFFFFFEF7, lr;
	s5 =	simm.s32 $0xFFFFFFFF;
	p2 =	slt.u32 s8, $0xFFFFF086  }
0x1c: {  	p1 =	slt.u32 s9, $0xF7A;
	s5 =	simm.s32 @!p2 $0x0  }
0x1d: {  	s5 =	simm.s32 @p1 $0x1;
	p0 =	seq.s32 s7, s2  }
0x1e: {  	s7 =	smul.u32 @!p0 $0xF7A, s2;
	p2 =	seq.s32 @!p0 s5, $0x0  }
0x1f: {  	s9 =	smul.u32 $0xF7A, s1;
	s8 =	simm.s32 @!p0 $0x1BF5;
	p2 =	por !p2, p0  }
0x20: {  	[sflag:s8] =	ssyncset.s32 @!p0 $0xFFFFF086;
	s6 =	sadd.s32 @!p0 s3, s7;
	s7 =	simm.s32 @!p0 $0x108  }
0x21: {  	s3 =	sadd.s32 s3, s9;
	s6 =	sadd.s32 @!p0 $0x88, s6;
	s7 =	simm.s32 @p2 $0x1082  }
0x22: {  	[simem:s7], [sflag:s8] =	dma.local @!p0 [hbm:s6], $0xF7A  }
0x23: {  	s9 =	sor.u32 $0xD0000000, s2;
	s6 =	simm.s32 $0x108;
	_ =	swait.ge @!p0 [sflag:s8], $0x0  }
0x24: {  	s3 =	sadd.s32 $0x88, s3;
	s6 =	simm.s32 @!p1 $0x1082;
	[sflag:s4] =	ssyncset.s32 $0xFFFFF086  }
0x25: {  	[simem:s6], [sflag:s4] =	dma.local [hbm:s3], $0xF7A  }
0x26: {  	[smem:$0x3F9F] =	sst s1;
	(tag) =	ssettag s2;
	_ =	strace s9  }
0x27: {  	s1 =	sld [smem:$0x3FAF]  }
0x28: {  	s2 =	sld [smem:$0x3FB0]  }
0x29: {  	s4 =	sld [smem:$0x3FB2]  }
0x2a: {  	p0 =	seq.s32 s5, $0x0;
	s5 =	sld [smem:$0x3FB3]  }
0x2b: {  	s6 =	sld [smem:$0x3FB4]  }
0x2c: {  	s7 =	sld [smem:$0x3FB5]  }
0x2d: {  	s3 =	simm.s32 $0x108;
	s8 =	sld [smem:$0x3FB6]  }
0x2e: {  	s3 =	simm.s32 @!p0 $0x1082;
	s9 =	sld [smem:$0x3FB7]  }
0x2f: {  	lr =	sadd.s32 s0, s3;
	s0 =	sld [smem:$0x3FAE]  }
0x30: {  	s3 =	sld [smem:$0x3FB1]  }
0x31: {  	[smem:$0x3FBA] =	sst s10  }
0x32: {  	s10 =	sld [smem:$0x3FB8];
	_ =	sdelay $0x3  }
0x33: {  	p0 =	seq.s32 s10, $0x1;
	s10 =	sld [smem:$0x3FBA];
	_ =	sdelay $0x3  }
0x34: {  	[smem:$0x3FBA] =	sst s10  }
0x35: {  	s10 =	sld [smem:$0x3FB9];
	_ =	sdelay $0x3  }
0x36: {  	p1 =	seq.s32 s10, $0x1;
	s10 =	sld [smem:$0x3FBA];
	_ =	sdelay $0x3  }
0x37: {  	[smem:$0x3FBA] =	sst s10  }
0x38: {  	s10 =	sld [smem:$0x3FBB]  }
0x39: {  	_ = 	snop;
	(pc) =	sbr.ind lr, $3  }
0x3a: {  	_ = 	snop  }
0x3b: {  	_ = 	snop  }
0x3c: {  	p2 =	seq.s32 s10, $0x1;
	s10 =	sld [smem:$0x3FBA]  }
0x3d: {  	_ =	shalt  }
0x3e: {  	_ =	shalt  }
0x3f: {  	_ =	shalt  }
0x40: {  	_ =	shalt  }
0x41: {  	_ =	shalt  }
0x42: {  	_ =	shalt  }
0x43: {  	_ =	shalt  }
0x44: {  	_ =	shalt  }
0x45: {  	_ =	shalt  }
0x46: {  	_ =	shalt  }
0x47: {  	_ =	shalt  }
0x48: {  	_ =	shalt  }
0x49: {  	_ =	shalt  }
0x4a: {  	_ =	shalt  }
0x4b: {  	_ =	shalt  }
0x4c: {  	_ =	shalt  }
0x4d: {  	_ =	shalt  }
0x4e: {  	_ =	shalt  }
0x4f: {  	_ =	shalt  }
0x50: {  	_ =	shalt  }
0x51: {  	_ =	shalt  }
0x52: {  	_ =	shalt  }
0x53: {  	_ =	shalt  }
0x54: {  	_ =	shalt  }
0x55: {  	_ =	shalt  }
0x56: {  	_ =	shalt  }
0x57: {  	_ =	shalt  }
0x58: {  	_ =	shalt  }
0x59: {  	_ =	shalt  }
0x5a: {  	_ =	shalt  }
0x5b: {  	_ =	shalt  }
0x5c: {  	_ =	shalt  }
0x5d: {  	_ =	shalt  }
0x5e: {  	_ =	shalt  }
0x5f: {  	_ =	shalt  }
0x60: {  	_ =	shalt  }
0x61: {  	_ =	shalt  }
0x62: {  	_ =	shalt  }
0x63: {  	_ =	shalt  }
0x64: {  	_ =	shalt  }
0x65: {  	_ =	shalt  }
0x66: {  	_ =	shalt  }
0x67: {  	_ =	shalt  }
0x68: {  	_ =	shalt  }
0x69: {  	_ =	shalt  }
0x6a: {  	_ =	shalt  }
0x6b: {  	_ =	shalt  }
0x6c: {  	_ =	shalt  }
0x6d: {  	_ =	shalt  }
0x6e: {  	_ =	shalt  }
0x6f: {  	_ =	shalt  }
0x70: {  	_ =	shalt  }
0x71: {  	_ =	shalt  }
0x72: {  	_ =	shalt  }
0x73: {  	_ =	shalt  }
0x74: {  	_ =	shalt  }
0x75: {  	_ =	shalt  }
0x76: {  	_ =	shalt  }
0x77: {  	_ =	shalt  }
0x78: {  	_ =	shalt  }
0x79: {  	_ =	shalt  }
0x7a: {  	_ =	shalt  }
0x7b: {  	_ =	shalt  }
0x7c: {  	_ =	shalt  }
0x7d: {  	_ =	shalt  }
0x7e: {  	_ =	shalt  }
0x7f: {  	_ =	shalt  }
0x80: {  	_ =	shalt  }
0x81: {  	_ =	shalt  }
0x82: {  	_ =	shalt  }
0x83: {  	_ =	shalt  }
0x84: {  	_ =	shalt  }
0x85: {  	_ =	shalt  }
0x86: {  	_ =	shalt  }
0x87: {  	_ =	shalt  }
.Lfunc_end0:
.L_simem_size_0:
called_computation_lowered:
.L_overlay_start_0:
0x88: {  	s2 =	sld [smem:$0x3FD9]  }
0x89: {  	s3 =	sld [smem:$0x3FFE];
	_ =	sdelay $0x1  }
0x8a: {  	s1 =	srdreg.scid  }
0x8b: {  	s0 =	sand.u32 $0x1, s1  }
0x8c: {  	s18 =	sshll.u32 s0, $0xA;
	s2 =	sadd.s32 s3, s2  }
0x8d: {  	s2 =	sadd.s32 s2, s18  }
0x8e: {  	[smem:$0x3FC6] =	sst s2  }
0x8f: {  	_ = 	snop  }
0x90: {  	s2 =	sld [smem:$0x3FC9]  }
0x91: {  	s19 =	sld [smem:$0x3FC8]  }
0x92: {  	s4 =	sld [smem:$0x3FD0];
	(tm) =	ssettm $0x1  }
0x93: {  	s5 =	sld [smem:$0x3FFB];
	_ =	sdelay $0x3  }
0x94: {  	_ =	strace s5  }
0x95: {  	s5 =	sld [smem:$0x3FFC];
	_ =	sdelay $0x3  }
0x96: {  	_ =	strace s5  }
0x97: {  	s5 =	sld [smem:$0x3FFD];
	_ =	sdelay $0x3  }
0x98: {  	_ =	strace s5  }
0x99: {  	_ =	strace $0x8FFFFFFF  }
0x9a: {  	s20 =	sld [smem:$0x3FDB];
	_ =	sdelay $0x1  }
0x9b: {  	s6 =	simm.s32 $_scs_section_size  }
0x9c: {  	s7 =	simm.s32 $_size__tile_overlayer_lowered;
	s8 =	simm.s32 $_tile_overlayer_lowered  }
0x9d: {  	s23 =	simm.s32 $0x1BFF;
	s22 =	sshll.u32 s8, $0x1;
	s5 =	sadd.s32 s6, s20  }
0x9e: {  	s9 =	simm.s32 $0x0;
	s21 =	sshll.u32 s7, $0x1;
	s7 =	sadd.s32 s22, s5  }
0x9f: {  	[timem:s9], [sflag:s23] =	dma.local [hbm:s7], s21  }
0xa0: {  	_ =	swait.ge [sflag:s23], s21  }
0xa1: {  	s6 =	ssub.s32 $0x0, s21;
	[sflag:s23] =	ssyncset.done $0x0  }
0xa2: {  	[sflag:s23] =	ssyncadd.s32 s6;
	_ =	sdelay $0x1  }
0xa3: {  	s24 =	simm.s32 $0x1B8B  }
0xa4: {  	_ =	swait.ge [sflag:s24], $0x1  }
0xa5: {  	[sflag:s24] =	ssyncset.done $0x0  }
0xa6: {  	s25 =	simm.s32 $0x1B8E;
	[sflag:s24] =	ssyncadd.s32 $0xFFFFFFFF  }
0xa7: {  	s26 =	simm.s32 $execute0_lowered;
	[smem:$0x3FD2] =	sst s25  }
0xa8: {  	s6 =	sshll.u32 s26, $0x1;
	_ =	strace $0x80000046;
	[dreg:$0x1] =	wrdreg $0xFFFFFFFF  }
0xa9: {  	s28 =	simm.s32 $_size_execute0_lowered;
	s5 =	sadd.s32 s5, s6;
	[dreg:$0x0] =	wrdreg $0x0  }
0xaa: {  	s6 =	sshll.u32 s28, $0x1;
	[dreg:$0x2] =	wrdreg s5  }
0xab: {  	[dreg:$0x3] =	wrdreg s6  }
0xac: {  	[dreg:$0x4] =	wrdreg $0xC0  }
0xad: {  	_ =	task [dreg:s9], $0x5FFFF  }
0xae: {  	[dreg:$0x1] =	wrdreg $0xFFFFFFFF  }
0xaf: {  	[dreg:$0x0] =	wrdreg $0x60  }
0xb0: {  	[dreg:$0x2] =	wrdreg s2  }
0xb1: {  	[dreg:$0x3] =	wrdreg s19  }
0xb2: {  	[dreg:$0x4] =	wrdreg s4  }
0xb3: {  	[dreg:$0x5] =	wrdreg $0x9  }
0xb4: {  	_ =	task.clear_ibuf [dreg:s9], $0x6FFFF;
	_ =	strace $0x90000046  }
0xb5: {  	s29 =	simm.s32 $0x9;
	_ =	strace $0x80000048  }
0xb6: {  	_ =	swait.ge [sflag:s29], $0x1  }
0xb7: {  	[sflag:s29] =	ssyncadd.s32 $0xFFFFFFFF  }
0xb8: {  	_ =	strace $0x90000048  }
0xb9: {  	_ =	sfence  }
0xba: {  	s30 =	sld [smem:$0x0];
	_ =	sdelay $0x2  }
0xbb: {  	s31 =	sshll.u32 s1, $0xD;
	s1 =	sshrl.u32 s1, $0x2  }
0xbc: {  	s3 =	sand.u32 $0x4000, s31;
	s1 =	sadd.s32 s1, s30  }
0xbd: {  	s0 =	sor.u32 s3, s0;
	s1 =	sshll.u32 s1, $0x11  }
0xbe: {  	s0 =	sor.u32 s1, s0  }
0xbf: {  	s0 =	sadd.s32 $0x8F2B, s0  }
0xc0: {  	[sflag:s0] =	ssyncadd.remote.s32 $0x1  }
0xc1: {  	_ =	sfence.sel $0xFFFF  }
0xc2: {  	[dreg:$0x0] =	wrdreg $0xFFFFFFFF;
	(pc) =	sbr.abs _section_cstart, $3  }
0xc3: {  	[dreg:$0x1] =	wrdreg $0xFFFFFFFF  }
0xc4: {  	_ =	task.clear_ibuf [dreg:s9], $0x2FFFF;
	_ =	strace $0x9FFFFFFF  }
0xc5: {  	(tm) =	ssettm $0x7FFFFFFF  }
tec
execute0_lowered:
.L_overlay_start_1:
0x0: {  	(tag) =	ssettag $0x1  }
0x1: {  	s0 =	rddreg [dreg:$0x0]  }
0x2: {  	s2 =	rddreg [dreg:$0x1]  }
0x3: {  	s1 =	rddreg [dreg:$0x2];
	s3 =	srdreg.scid  }
0x4: {  	s9 =	stileid.u32;
	s16 =	simm.s32 $0xB;
	s17 =	simm.s32 $0x80  }
0x5: {  	s18 =	simm.s32 $0x1C00;
	s19 =	simm.s32 $0x5C00;
	s21 =	simm.s32 $0x9C00  }
0x6: {  	s28 =	simm.s32 $0x6;
	s29 =	simm.s32 $0x2;
	s30 =	simm.s32 $0x7  }
0x7: {  	s31 =	simm.s32 $0x3;
	s13 =	simm.s32 $0x9;
	s14 =	simm.s32 $0x5  }
0x8: {  	s15 =	simm.s32 $0xA;
	s20 =	simm.s32 $0x0;
	s5 =	sand.u32 $0x1, s3  }
0x9: {  	s3 =	simm.s32 $0x0;
	s4 =	sshll.u32 s9, $0x8;
	s10 =	sshll.u32 s9, $0xC  }
0xa: {  	s6 =	sshll.u32 s5, $0x7;
	[smem:$0x7FF] =	sst s3;
	s23 =	ssub.s32 $0x2, s5  }
0xb: {  	s5 =	sshll.u32 s5, $0xB;
	s4 =	sor.u32 s6, s4;
	_ =	strace $0x80000047  }
0xc: {  	s8 =	sshrl.u32 s23, $0x1;
	s7 =	sshll.u32 s4, $0x4;
	s4 =	sadd.s32 s0, s4  }
0xd: {  	s11 =	ssub.s32 s23, s8;
	s23 =	simm.s32 $0xDC00;
	s0 =	simm.s32 $0x8  }
0xe: {  	s24 =	sadd.s32 s7, s1;
	s25 =	sadd.s32 $0x6000, s4;
	s1 =	sadd.s32 s10, s1  }
0xf: {  	s11 =	smax.u32 s11, $0x1;
	[dreg:$0x4] =	wrdreg s25;
	s26 =	sadd.s32 $0x2D0000, s24  }
0x10: {  	s7 =	sadd.s32 $0x2E0000, s24;
	s8 =	sadd.s32 $0x2F0000, s24;
	s9 =	sadd.s32 $0x300000, s24  }
0x11: {  	s10 =	sadd.s32 $0x310000, s24;
	s12 =	sadd.s32 s5, s1;
	s25 =	simm.s32 $0x11C00  }
0x12: {  	s1 =	simm.s32 $0x4;
	[dreg:$0x5] =	wrdreg s26;
	s26 =	simm.s32 $0x1  }
.LBB2_1:
0x13: {  	s5 =	simm.s32 $0x400;
	s6 =	simm.s32 $0x8000  }
0x14: {  	[tilespmem:s3], [sflag:$0xB] =	stream.strided.gather [hbm4b:s4+s5], $0x1800, s6, s5, $0x38;
	[tilespmem:$0x15C00] =	vst v63  }
0x15: {  	s22 =	rddreg [dreg:$0x4];
	s24 =	simm.s32 $0x1800  }
0x16: {  	[tilespmem:s24], [sflag:$0xB] =	stream.linear.gather [hbm4b:s22+s3], $0x100, $0x38;
	[tilespmem:$0x15C00] =	vst v63  }
0x17: {  	_ =	swait.ge [sflag:s16], $0x1900  }
0x18: {  	[sflag:s16] =	ssyncset.done $0x0  }
0x19: {  	[sflag:s16] =	ssyncadd.s32 $0xFFFFE700  }
0x1a: {  	[tilespmem:s18], [sflag:$0x1] =	stream.indirect.gather [hbm4b:s2+s17], $0x80, s3, s17, $0xb8;
	[tilespmem:$0x15C00] =	vst v63  }
0x1b: {  	_ = 	snop  }
0x1c: {  	[tilespmem:s19], [sflag:$0x2] =	stream.indirect.gather [hbm4b:s2+s17], $0x80, s17, s17, $0xb8;
	[tilespmem:$0x15C00] =	vst v63  }
0x1d: {  	s22 =	simm.s32 $0x100  }
0x1e: {  	[tilespmem:s21], [sflag:$0x3] =	stream.indirect.gather [hbm4b:s2+s17], $0x80, s22, s17, $0xb8;
	[tilespmem:$0x15C00] =	vst v63  }
0x1f: {  	s24 =	simm.s32 $0x180  }
0x20: {  	[tilespmem:s23], [sflag:$0x4] =	stream.indirect.gather [hbm4b:s2+s17], $0x80, s24, s17, $0xb8;
	[tilespmem:$0x15C00] =	vst v63  }
0x21: {  	s6 =	simm.s32 $0x200  }
0x22: {  	[tilespmem:s25], [sflag:$0x5] =	stream.indirect.gather [hbm4b:s2+s17], $0x80, s6, s17, $0xb8;
	[tilespmem:$0x15C00] =	vst v63  }
0x23: {  	_ =	swait.ge [sflag:s26], $0x4000  }
0x24: {  	[sflag:s26] =	ssyncset.done $0x0  }
0x25: {  	[sflag:s26] =	ssyncadd.s32 $0xFFFFC000  }
0x26: {  	[hbm4b:s12+s3] =	stream.linear.scatter [tilespmem:s18], [sflag:$0x6], $0x4000, $0x38;
	[tilespmem:$0x15C00] =	vst v63  }
0x27: {  	_ =	swait.ge [sflag:s28], $0x4000  }
0x28: {  	[sflag:s28] =	ssyncset.done $0x0  }
0x29: {  	s22 =	simm.s32 $0x280;
	[sflag:s28] =	ssyncadd.s32 $0xFFFFC000  }
0x2a: {  	[tilespmem:s18], [sflag:$0x1] =	stream.indirect.gather [hbm4b:s2+s17], $0x80, s22, s17, $0xb8;
	[tilespmem:$0x15C00] =	vst v63  }
0x2b: {  	_ =	swait.ge [sflag:s29], $0x4000  }
0x2c: {  	[sflag:s29] =	ssyncset.done $0x0  }
0x2d: {  	s24 =	sadd.s32 $0x10000, s12;
	[sflag:s29] =	ssyncadd.s32 $0xFFFFC000  }
0x2e: {  	[hbm4b:s24+s3] =	stream.linear.scatter [tilespmem:s19], [sflag:$0x7], $0x4000, $0x38;
	[tilespmem:$0x15C00] =	vst v63  }
0x2f: {  	_ =	swait.ge [sflag:s30], $0x4000  }
0x30: {  	[sflag:s30] =	ssyncset.done $0x0  }
0x31: {  	s6 =	simm.s32 $0x300;
	[sflag:s30] =	ssyncadd.s32 $0xFFFFC000  }
0x32: {  	[tilespmem:s19], [sflag:$0x2] =	stream.indirect.gather [hbm4b:s2+s17], $0x80, s6, s17, $0xb8;
	[tilespmem:$0x15C00] =	vst v63  }
0x33: {  	_ =	swait.ge [sflag:s31], $0x4000  }
0x34: {  	[sflag:s31] =	ssyncset.done $0x0  }
0x35: {  	s22 =	sadd.s32 $0x20000, s12;
	[sflag:s31] =	ssyncadd.s32 $0xFFFFC000  }
0x36: {  	[hbm4b:s22+s3] =	stream.linear.scatter [tilespmem:s21], [sflag:$0x8], $0x4000, $0x38;
	[tilespmem:$0x15C00] =	vst v63  }
0x37: {  	_ =	swait.ge [sflag:s0], $0x4000  }
0x38: {  	[sflag:s0] =	ssyncset.done $0x0  }
0x39: {  	s24 =	simm.s32 $0x380;
	[sflag:s0] =	ssyncadd.s32 $0xFFFFC000  }
0x3a: {  	[tilespmem:s21], [sflag:$0x3] =	stream.indirect.gather [hbm4b:s2+s17], $0x80, s24, s17, $0xb8;
	[tilespmem:$0x15C00] =	vst v63  }
0x3b: {  	_ =	swait.ge [sflag:s1], $0x4000  }
0x3c: {  	[sflag:s1] =	ssyncset.done $0x0  }
0x3d: {  	s6 =	sadd.s32 $0x30000, s12;
	[sflag:s1] =	ssyncadd.s32 $0xFFFFC000  }
0x3e: {  	[hbm4b:s6+s3] =	stream.linear.scatter [tilespmem:s23], [sflag:$0x9], $0x4000, $0x38;
	[tilespmem:$0x15C00] =	vst v63  }
0x3f: {  	_ =	swait.ge [sflag:s13], $0x4000  }
0x40: {  	[sflag:s13] =	ssyncset.done $0x0  }
0x41: {  	s22 =	simm.s32 $0x400;
	[sflag:s13] =	ssyncadd.s32 $0xFFFFC000  }
0x42: {  	[tilespmem:s23], [sflag:$0x4] =	stream.indirect.gather [hbm4b:s2+s17], $0x80, s22, s17, $0xb8;
	[tilespmem:$0x15C00] =	vst v63  }
0x43: {  	_ =	swait.ge [sflag:s14], $0x4000  }
0x44: {  	[sflag:s14] =	ssyncset.done $0x0  }
0x45: {  	s24 =	sadd.s32 $0x40000, s12;
	[sflag:s14] =	ssyncadd.s32 $0xFFFFC000  }
0x46: {  	[hbm4b:s24+s3] =	stream.linear.scatter [tilespmem:s25], [sflag:$0xA], $0x4000, $0x38;
	[tilespmem:$0x15C00] =	vst v63  }
0x47: {  	_ =	swait.ge [sflag:s15], $0x4000  }
0x48: {  	s5 =	simm.s32 $0x480;
	[sflag:s15] =	ssyncset.done $0x0  }
0x49: {  	s22 =	simm.s32 $0xA00;
	s24 =	sadd.s32 $0x50000, s12;
	[sflag:s15] =	ssyncadd.s32 $0xFFFFC000  }
.LBB2_2:
0x4a: {  	[tilespmem:s25], [sflag:$0x5] =	stream.indirect.gather [hbm4b:s2+s17], $0x80, s5, s17, $0xb8;
	[tilespmem:$0x15C00] =	vst v63  }
0x4b: {  	s5 =	smov.u32 s22  }
0x4c: {  	p0 =	sne.s32 s22, $0x5000;
	s22 =	sadd.s32 $0xA00, s22;
	_ =	swait.ge [sflag:s26], $0x4000  }
0x4d: {  	[sflag:s26] =	ssyncset.done $0x0  }
0x4e: {  	[sflag:s26] =	ssyncadd.s32 $0xFFFFC000  }
0x4f: {  	[hbm4b:s24+s3] =	stream.linear.scatter [tilespmem:s18], [sflag:$0x6], $0x4000, $0x38;
	[tilespmem:$0x15C00] =	vst v63  }
0x50: {  	_ =	swait.ge [sflag:s28], $0x4000  }
0x51: {  	s5 =	sshra.s32 s5, $0x2;
	[sflag:s28] =	ssyncset.done $0x0  }
0x52: {  	s6 =	sadd.s32 $0x280, s5;
	[sflag:s28] =	ssyncadd.s32 $0xFFFFC000  }
0x53: {  	[tilespmem:s18], [sflag:$0x1] =	stream.indirect.gather [hbm4b:s2+s17], $0x80, s6, s17, $0xb8;
	[tilespmem:$0x15C00] =	vst v63  }
0x54: {  	_ =	swait.ge [sflag:s29], $0x4000  }
0x55: {  	[sflag:s29] =	ssyncset.done $0x0  }
0x56: {  	s6 =	sadd.s32 $0x10000, s24;
	[sflag:s29] =	ssyncadd.s32 $0xFFFFC000  }
0x57: {  	[hbm4b:s6+s3] =	stream.linear.scatter [tilespmem:s19], [sflag:$0x7], $0x4000, $0x38;
	[tilespmem:$0x15C00] =	vst v63  }
0x58: {  	_ =	swait.ge [sflag:s30], $0x4000  }
0x59: {  	[sflag:s30] =	ssyncset.done $0x0  }
0x5a: {  	s6 =	sadd.s32 $0x300, s5;
	[sflag:s30] =	ssyncadd.s32 $0xFFFFC000  }
0x5b: {  	[tilespmem:s19], [sflag:$0x2] =	stream.indirect.gather [hbm4b:s2+s17], $0x80, s6, s17, $0xb8;
	[tilespmem:$0x15C00] =	vst v63  }
0x5c: {  	_ =	swait.ge [sflag:s31], $0x4000  }
0x5d: {  	[sflag:s31] =	ssyncset.done $0x0  }
0x5e: {  	s6 =	sadd.s32 $0x20000, s24;
	[sflag:s31] =	ssyncadd.s32 $0xFFFFC000  }
0x5f: {  	[hbm4b:s6+s3] =	stream.linear.scatter [tilespmem:s21], [sflag:$0x8], $0x4000, $0x38;
	[tilespmem:$0x15C00] =	vst v63  }
0x60: {  	_ =	swait.ge [sflag:s0], $0x4000  }
0x61: {  	[sflag:s0] =	ssyncset.done $0x0  }
0x62: {  	s6 =	sadd.s32 $0x380, s5;
	[sflag:s0] =	ssyncadd.s32 $0xFFFFC000  }
0x63: {  	[tilespmem:s21], [sflag:$0x3] =	stream.indirect.gather [hbm4b:s2+s17], $0x80, s6, s17, $0xb8;
	[tilespmem:$0x15C00] =	vst v63  }
0x64: {  	_ =	swait.ge [sflag:s1], $0x4000  }
0x65: {  	[sflag:s1] =	ssyncset.done $0x0  }
0x66: {  	s6 =	sadd.s32 $0x30000, s24;
	[sflag:s1] =	ssyncadd.s32 $0xFFFFC000  }
0x67: {  	[hbm4b:s6+s3] =	stream.linear.scatter [tilespmem:s23], [sflag:$0x9], $0x4000, $0x38;
	[tilespmem:$0x15C00] =	vst v63  }
0x68: {  	_ =	swait.ge [sflag:s13], $0x4000  }
0x69: {  	[sflag:s13] =	ssyncset.done $0x0  }
0x6a: {  	s6 =	sadd.s32 $0x400, s5;
	[sflag:s13] =	ssyncadd.s32 $0xFFFFC000  }
0x6b: {  	[tilespmem:s23], [sflag:$0x4] =	stream.indirect.gather [hbm4b:s2+s17], $0x80, s6, s17, $0xb8;
	[tilespmem:$0x15C00] =	vst v63  }
0x6c: {  	_ =	swait.ge [sflag:s14], $0x4000  }
0x6d: {  	[sflag:s14] =	ssyncset.done $0x0  }
.Ltmp0:
0x6e: {  	s6 =	sadd.s32 $0x40000, s24;
	[sflag:s14] =	ssyncadd.s32 $0xFFFFC000;
	(pc) =	sbr.rel @p0 .LBB2_2-.Ltmp0, $4  }
0x6f: {  	[hbm4b:s6+s3] =	stream.linear.scatter [tilespmem:s25], [sflag:$0xA], $0x4000, $0x38;
	[tilespmem:$0x15C00] =	vst v63  }
0x70: {  	_ =	swait.ge [sflag:s15], $0x4000  }
0x71: {  	[sflag:s15] =	ssyncset.done $0x0  }
0x72: {  	s5 =	sadd.s32 $0x480, s5;
	s24 =	sadd.s32 $0x50000, s24;
	[sflag:s15] =	ssyncadd.s32 $0xFFFFC000  }
0x73: {  	[tilespmem:s25], [sflag:$0x5] =	stream.indirect.gather [hbm4b:s2+s17], $0x80, s5, s17, $0xb8;
	[tilespmem:$0x15C00] =	vst v63  }
0x74: {  	_ =	swait.ge [sflag:s26], $0x4000  }
0x75: {  	[sflag:s26] =	ssyncset.done $0x0  }
0x76: {  	s24 =	rddreg [dreg:$0x5];
	[sflag:s26] =	ssyncadd.s32 $0xFFFFC000  }
0x77: {  	[hbm4b:s24+s3] =	stream.linear.scatter [tilespmem:s18], [sflag:$0x6], $0x4000, $0x38;
	[tilespmem:$0x15C00] =	vst v63  }
0x78: {  	_ =	swait.ge [sflag:s29], $0x4000  }
0x79: {  	[sflag:s29] =	ssyncset.done $0x0  }
0x7a: {  	[sflag:s29] =	ssyncadd.s32 $0xFFFFC000  }
0x7b: {  	[hbm4b:s7+s3] =	stream.linear.scatter [tilespmem:s19], [sflag:$0x7], $0x4000, $0x38;
	[tilespmem:$0x15C00] =	vst v63  }
0x7c: {  	_ =	swait.ge [sflag:s31], $0x4000  }
0x7d: {  	[sflag:s31] =	ssyncset.done $0x0  }
0x7e: {  	[sflag:s31] =	ssyncadd.s32 $0xFFFFC000  }
0x7f: {  	[hbm4b:s8+s3] =	stream.linear.scatter [tilespmem:s21], [sflag:$0x8], $0x4000, $0x38;
	[tilespmem:$0x15C00] =	vst v63  }
0x80: {  	_ =	swait.ge [sflag:s1], $0x4000  }
0x81: {  	[sflag:s1] =	ssyncset.done $0x0  }
0x82: {  	[sflag:s1] =	ssyncadd.s32 $0xFFFFC000  }
0x83: {  	[hbm4b:s9+s3] =	stream.linear.scatter [tilespmem:s23], [sflag:$0x9], $0x4000, $0x38;
	[tilespmem:$0x15C00] =	vst v63  }
0x84: {  	_ =	swait.ge [sflag:s14], $0x4000  }
0x85: {  	[sflag:s14] =	ssyncset.done $0x0  }
0x86: {  	[sflag:s14] =	ssyncadd.s32 $0xFFFFC000  }
0x87: {  	[hbm4b:s10+s3] =	stream.linear.scatter [tilespmem:s25], [sflag:$0xA], $0x4000, $0x38;
	[tilespmem:$0x15C00] =	vst v63  }
0x88: {  	_ =	swait.ge [sflag:s28], $0x4000  }
0x89: {  	[sflag:s28] =	ssyncset.done $0x0  }
0x8a: {  	[sflag:s28] =	ssyncadd.s32 $0xFFFFC000  }
0x8b: {  	_ =	swait.ge [sflag:s30], $0x4000  }
0x8c: {  	[sflag:s30] =	ssyncset.done $0x0  }
0x8d: {  	[sflag:s30] =	ssyncadd.s32 $0xFFFFC000  }
0x8e: {  	_ =	swait.ge [sflag:s0], $0x4000  }
0x8f: {  	[sflag:s0] =	ssyncset.done $0x0  }
0x90: {  	s20 =	sadd.s32 $0x1, s20;
	[sflag:s0] =	ssyncadd.s32 $0xFFFFC000  }
0x91: {  	p0 =	sne.s32 s20, s11;
	_ =	swait.ge [sflag:s13], $0x4000  }
.Ltmp1:
0x92: {  	[sflag:s13] =	ssyncset.done $0x0;
	(pc) =	sbr.rel @p0 .LBB2_1-.Ltmp1, $4  }
0x93: {  	[sflag:s13] =	ssyncadd.s32 $0xFFFFC000  }
0x94: {  	_ =	swait.ge [sflag:s15], $0x4000  }
0x95: {  	[sflag:s15] =	ssyncset.done $0x0  }
0x96: {  	[sflag:s15] =	ssyncadd.s32 $0xFFFFC000  }
0x97: {  	_ =	sfence.sel $0x180000  }
0x98: {  	[bflag:$0x0] =	sbarrier.arrive $0xFFFF  }
0x99: {  	_ =	strace $0x90000047  }
0x9a: {  	s0 =	stileid.u32;
	[bflag:$0x2] =	sbarrier.arrive $0xFFFF  }
0x9b: {  	p0 =	sne.s32 s0, $0x0;
	s0 =	rddreg [dreg:$0x3]  }
0x9c: {  	s0 =	sadd.s32 @!p0 $0x100000, s0  }
0x9d: {  	[sflag:s0] =	ssyncadd.tile.s32 @!p0 $0x1;
	_ =	shalt  }
.Lfunc_end2:
_tile_overlayer_lowered:
.L_overlay_start_2:
0x9e: {  	(tag) =	ssettag $0x2  }
0x9f: {  	s0 =	rddreg [dreg:$0x0];
	s2 =	stileid.u32  }
0xa0: {  	s1 =	rddreg [dreg:$0x1];
	p0 =	sne.s32 s2, $0x0  }
0xa1: {  	s3 =	rddreg [dreg:$0x2];
	[bflag:$0x3] =	sbarrier.arrive $0xFFFF;
	s2 =	simm.s32 @!p0 $0x1C0B  }
0xa2: {  	[timem:s3], [sflag:s2] =	dma.local @!p0 [hbm:s0], s1  }
0xa3: {  	s0 =	simm.s32 @!p0 $0xB  }
0xa4: {  	_ =	swait.ge @!p0 [sflag:s0], s1  }
0xa5: {  	s1 =	ssub.s32 @!p0 $0x0, s1;
	[sflag:s0] =	ssyncset.done @!p0 $0x0  }
0xa6: {  	[sflag:s0] =	ssyncadd.s32 @!p0 s1  }
0xa7: {  	[bflag:$0x3] =	sbarrier.arrive $0xFFFF  }
0xa8: {  	_ =	shalt  }

</sc_bundles>
